<compile_context>
chip_gen: v7x
topology: tpu7x:2x2x1
jax: 0.10.2.dev20260603
libtpu: 0.0.44.dev20260713+nightly
codegen_flags: <defaults>
</compile_context>

<pallas_src>
import functools

import jax
import jax.numpy as jnp
from jax.experimental import pallas as pl
from jax.experimental.pallas import tpu as pltpu

_EDGE_TILE = 25600
_NODE_CHUNK = 800
_NB = 136
_REP = 8
_STRIDE = 72
_NBUF = 8
_AHEAD = 6


def _copy_in(src_hbm, attr_hbm, src_buf, attr_buf, ssem, asem, tile, slot):
    cs = pltpu.make_async_copy(src_hbm.at[tile], src_buf.at[slot],
                               ssem.at[slot])
    ca = pltpu.make_async_copy(attr_hbm.at[tile], attr_buf.at[slot],
                               asem.at[slot])
    return cs, ca


def _fused_kernel(num_tiles, num_graphs, node_rows,
                  src_hbm, attr_hbm, batch_ref, w1_ref, b1_ref, w2_ref,
                  b2_ref, w3_ref, b3_ref, out_ref,
                  starts_ref, acc_ref, src_buf, attr_buf, ssem, asem):
    i = pl.program_id(0)
    hidden = w2_ref.shape[0]

    @pl.when(i == 0)
    def _init():
        gcol = jax.lax.broadcasted_iota(jnp.int32, (_NB, 1), 0)

        def body(j, s):
            row = batch_ref[pl.ds(j, 1), :]
            return s + jnp.sum((gcol > row).astype(jnp.int32), axis=1,
                               keepdims=True)

        zero = jnp.zeros((_NB, 1), jnp.int32)
        starts_ref[...] = jax.lax.fori_loop(0, node_rows, body, zero)
        acc_ref[...] = jnp.zeros_like(acc_ref)

        def prologue(t, _):
            cs, ca = _copy_in(src_hbm, attr_hbm, src_buf, attr_buf,
                              ssem, asem, t, t % _NBUF)
            cs.start()
            ca.start()
            return 0

        jax.lax.fori_loop(0, min(_AHEAD, num_tiles), prologue, 0)

    nxt = i + _AHEAD

    @pl.when(nxt < num_tiles)
    def _prefetch():
        cs, ca = _copy_in(src_hbm, attr_hbm, src_buf, attr_buf,
                          ssem, asem, nxt, nxt % _NBUF)
        cs.start()
        ca.start()

    slot = i % _NBUF
    cs, ca = _copy_in(src_hbm, attr_hbm, src_buf, attr_buf,
                      ssem, asem, i, slot)
    cs.wait()
    ca.wait()

    spt = jnp.transpose(src_buf[slot], (1, 0))
    ap = attr_buf[slot]
    hp = jnp.dot(ap, w1_ref[...], preferred_element_type=jnp.float32)
    hp = jnp.maximum(hp + b1_ref[...], 0.0)
    hp16 = hp.astype(jnp.bfloat16)
    one = jnp.ones((), jnp.float32)
    zro = jnp.zeros((), jnp.float32)
    starts = starts_ref[...]
    total = None
    for k in range(_REP):
        u_k = jnp.where(spt[k:k + 1, :] >= starts, one, zro)
        h_k = hp16[:, _STRIDE * k:_STRIDE * k + hidden + 1]
        p_k = jax.lax.dot_general(u_k.astype(jnp.bfloat16), h_k,
                                  (((1,), (0,)), ((), ())),
                                  preferred_element_type=jnp.float32)
        total = p_k if total is None else total + p_k
    acc_ref[...] += total[0:num_graphs, :] - total[1:num_graphs + 1, :]

    @pl.when(i == num_tiles - 1)
    def _finish():
        a = acc_ref[...]
        gf = a[:, 0:hidden] / jnp.maximum(a[:, hidden:hidden + 1], 1.0)
        h2 = jnp.dot(gf, w2_ref[...], preferred_element_type=jnp.float32)
        h2 = jnp.maximum(h2 + b2_ref[...], 0.0)
        out = jnp.dot(h2, w3_ref[...], preferred_element_type=jnp.float32)
        out_ref[...] = out + b3_ref[...]


@jax.jit
def kernel(edge_index, edge_attr, batch, W1, b1, W2, b2, W3, b3):
    n_edges, in_dim = edge_attr.shape
    n_nodes = batch.shape[0]
    hidden = W1.shape[1]
    out_dim = W3.shape[1]
    num_graphs = 128
    rep = _REP
    assert 128 // in_dim == rep

    et = _EDGE_TILE
    pad_e = (-n_edges) % et
    src = edge_index[0].astype(jnp.int32)
    attr = edge_attr.astype(jnp.bfloat16)
    if pad_e:
        src = jnp.concatenate(
            [src, jnp.full((pad_e,), n_nodes, jnp.int32)])
        attr = jnp.concatenate(
            [attr, jnp.zeros((pad_e, in_dim), attr.dtype)])
    num_tiles = (n_edges + pad_e) // et
    epr = et // rep
    src = src.reshape(num_tiles, epr, rep)
    attr = attr.reshape(num_tiles, epr, 128)

    w1b = jnp.zeros((128, rep * _STRIDE), jnp.float32)
    b1a = jnp.zeros((1, rep * _STRIDE), jnp.float32)
    for k in range(rep):
        w1b = w1b.at[in_dim * k:in_dim * (k + 1),
                     _STRIDE * k:_STRIDE * k + hidden].set(W1)
        b1a = b1a.at[0, _STRIDE * k:_STRIDE * k + hidden].set(b1)
        b1a = b1a.at[0, _STRIDE * k + hidden].set(1.0)
    w1b = w1b.astype(jnp.bfloat16)

    b32 = batch.astype(jnp.int32)
    pad_n = (-n_nodes) % _NODE_CHUNK
    if pad_n:
        b32 = jnp.concatenate(
            [b32, jnp.full((pad_n,), num_graphs, jnp.int32)])
    node_rows = (n_nodes + pad_n) // _NODE_CHUNK
    b32 = b32.reshape(node_rows, _NODE_CHUNK)

    const = lambda i: (0, 0)
    out = pl.pallas_call(
        functools.partial(_fused_kernel, num_tiles, num_graphs, node_rows),
        grid=(num_tiles,),
        in_specs=[
            pl.BlockSpec(memory_space=pl.ANY),
            pl.BlockSpec(memory_space=pl.ANY),
            pl.BlockSpec((node_rows, _NODE_CHUNK), const),
            pl.BlockSpec((128, rep * _STRIDE), const),
            pl.BlockSpec((1, rep * _STRIDE), const),
            pl.BlockSpec((hidden, hidden), const),
            pl.BlockSpec((1, hidden), const),
            pl.BlockSpec((hidden, out_dim), const),
            pl.BlockSpec((1, out_dim), const),
        ],
        out_specs=pl.BlockSpec((num_graphs, out_dim), const),
        out_shape=jax.ShapeDtypeStruct((num_graphs, out_dim), jnp.float32),
        scratch_shapes=[
            pltpu.VMEM((_NB, 1), jnp.int32),
            pltpu.VMEM((num_graphs, hidden + 1), jnp.float32),
            pltpu.VMEM((_NBUF, epr, rep), jnp.int32),
            pltpu.VMEM((_NBUF, epr, 128), jnp.bfloat16),
            pltpu.SemaphoreType.DMA((_NBUF,)),
            pltpu.SemaphoreType.DMA((_NBUF,)),
        ],
        compiler_params=pltpu.CompilerParams(
            dimension_semantics=("arbitrary",)),
    )(src, attr, b32, w1b, b1a, W2,
      b2.reshape(1, hidden), W3, b3.reshape(1, out_dim))
    return out

# --- scband reference (transcript-rebuilt; emitter-appended) ---
"""Pipeline reference for scband-dsedge-readout-10582799417476 (READ-ONLY COPY).

The authoritative reference and input builder live on the scoring server;
editing this copy changes nothing except your own understanding.
"""

import jax, jax.numpy as jnp
import numpy as np

N_NODES = 100000
N_EDGES = 3200000
IN_DIM = 16
HIDDEN = 64
OUT_DIM = 64
NUM_GRAPHS = 128


def setup_inputs(seed: int = 0) -> dict:
    key = jax.random.key(seed)
    ks = jax.random.split(key, 10)
    edge_index = jax.random.randint(ks[0], (2, N_EDGES), 0, N_NODES, dtype=jnp.int64)
    edge_attr = jax.random.normal(ks[1], (N_EDGES, IN_DIM), dtype=jnp.float32)
    batch = jnp.sort(jax.random.randint(ks[2], (N_NODES,), 0, NUM_GRAPHS, dtype=jnp.int64))
    W1 = jax.random.normal(ks[3], (IN_DIM, HIDDEN), dtype=jnp.float32) * 0.05
    b1 = jnp.zeros((HIDDEN,), dtype=jnp.float32)
    W2 = jax.random.normal(ks[4], (HIDDEN, HIDDEN), dtype=jnp.float32) * 0.05
    b2 = jnp.zeros((HIDDEN,), dtype=jnp.float32)
    W3 = jax.random.normal(ks[5], (HIDDEN, OUT_DIM), dtype=jnp.float32) * 0.05
    b3 = jnp.zeros((OUT_DIM,), dtype=jnp.float32)
    return {"edge_index": edge_index, "edge_attr": edge_attr, "batch": batch,
            "W1": W1, "b1": b1, "W2": W2, "b2": b2, "W3": W3, "b3": b3}


def reference(edge_index, edge_attr, batch, W1, b1, W2, b2, W3, b3):
    # pre_pool: Linear + ReLU over edges
    h = jax.nn.relu(edge_attr @ W1 + b1)
    # BasicEdgePool: scatter-mean edge features into per-graph slots
    edge_batch = batch[edge_index[0]]
    sums = jax.ops.segment_sum(h, edge_batch, num_segments=NUM_GRAPHS)
    counts = jax.ops.segment_sum(jnp.ones((h.shape[0],), dtype=h.dtype), edge_batch, num_segments=NUM_GRAPHS)
    graph_feat = sums / jnp.maximum(counts, 1.0)[:, None]
    # post_pool: Linear + ReLU + Linear
    h2 = jax.nn.relu(graph_feat @ W2 + b2)
    out = h2 @ W3 + b3
    return out

if __name__ == "__main__":
    import jax
    _d = setup_inputs()
    print(jax.jit(kernel)(*tuple(_d.values())))

</pallas_src>

<mosaic_0001>
module attributes {stable_mosaic.version = 14 : i64} {
  func.func @_fused_kernel(%arg0: i32, %arg1: memref<125x3200x8xi32, #tpu.memory_space<any>>, %arg2: memref<125x3200x128xbf16, #tpu.memory_space<any>>, %arg3: memref<125x800xi32, #tpu.memory_space<vmem>>, %arg4: memref<128x576xbf16, #tpu.memory_space<vmem>>, %arg5: memref<1x576xf32, #tpu.memory_space<vmem>>, %arg6: memref<64x64xf32, #tpu.memory_space<vmem>>, %arg7: memref<1x64xf32, #tpu.memory_space<vmem>>, %arg8: memref<64x64xf32, #tpu.memory_space<vmem>>, %arg9: memref<1x64xf32, #tpu.memory_space<vmem>>, %arg10: memref<128x64xf32, #tpu.memory_space<vmem>>, %arg11: memref<136x1xi32, #tpu.memory_space<vmem>>, %arg12: memref<128x65xf32, #tpu.memory_space<vmem>>, %arg13: memref<8x3200x8xi32, #tpu.memory_space<vmem>>, %arg14: memref<8x3200x128xbf16, #tpu.memory_space<vmem>>, %arg15: memref<8x!tpu.dma_semaphore, #tpu.memory_space<semaphore_mem>>, %arg16: memref<8x!tpu.dma_semaphore, #tpu.memory_space<semaphore_mem>>) attributes {dimension_semantics = [#tpu.dimension_semantics<arbitrary>], iteration_bounds = array<i64: 125>, scalar_prefetch = 0 : i64, scratch_operands = 6 : i64, tpu.core_type = #tpu.core_type<tc>, window_params = [{}, {}, {pipeline_mode = #tpu.pipeline_mode<synchronous>, transform_indices = @transform_2, window_bounds = array<i64: 125, 800>}, {pipeline_mode = #tpu.pipeline_mode<synchronous>, transform_indices = @transform_3, window_bounds = array<i64: 128, 576>}, {pipeline_mode = #tpu.pipeline_mode<synchronous>, transform_indices = @transform_4, window_bounds = array<i64: 1, 576>}, {pipeline_mode = #tpu.pipeline_mode<synchronous>, transform_indices = @transform_5, window_bounds = array<i64: 64, 64>}, {pipeline_mode = #tpu.pipeline_mode<synchronous>, transform_indices = @transform_6, window_bounds = array<i64: 1, 64>}, {pipeline_mode = #tpu.pipeline_mode<synchronous>, transform_indices = @transform_7, window_bounds = array<i64: 64, 64>}, {pipeline_mode = #tpu.pipeline_mode<synchronous>, transform_indices = @transform_8, window_bounds = array<i64: 1, 64>}, {pipeline_mode = #tpu.pipeline_mode<synchronous>, transform_indices = @transform_9, window_bounds = array<i64: 128, 64>}]} {
    %eq3A = arith.constant 0 : i32
    %eq3A_0 = arith.cmpi eq, %arg0, %eq3A : i32
    %convert_element_type3A = arith.extui %eq3A_0 : i1 to i32
    %cond3A = arith.constant 0 : i32
    %cond3A_1 = arith.cmpi ne, %convert_element_type3A, %cond3A : i32
    scf.if %cond3A_1 {
      %iota3A = tpu.iota {dimensions = array<i32: 0>} : vector<136x1xi32>
      %broadcast_in_dim3A_182 = arith.constant 0 : i32
      %broadcast_in_dim3A_183 = vector.broadcast %broadcast_in_dim3A_182 : i32 to vector<136x1xi32>
      %scan3A = arith.constant 0 : i32
      %scan3A_184 = arith.constant 125 : i32
      %scan3A_185 = arith.addi %scan3A, %scan3A_184 : i32
      %scan3A_186 = arith.constant 1 : i32
      %scan3A_187 = scf.for %scan3A_202 = %scan3A to %scan3A_185 step %scan3A_186 iter_args(%scan3A_203 = %broadcast_in_dim3A_183) -> (vector<136x1xi32>)  : i32 {
        %get3A_204 = arith.index_cast %scan3A_202 : i32 to index
        %get3A_205 = arith.constant 0 : index
        %get3A_206 = vector.load %arg3[%get3A_204, %get3A_205] : memref<125x800xi32, #tpu.memory_space<vmem>>, vector<1x800xi32>
        %gt3A = vector.broadcast %iota3A : vector<136x1xi32> to vector<136x800xi32>
        %gt3A_207 = vector.broadcast %get3A_206 : vector<1x800xi32> to vector<136x800xi32>
        %gt3A_208 = arith.cmpi sgt, %gt3A, %gt3A_207 : vector<136x800xi32>
        %convert_element_type3A_209 = arith.extui %gt3A_208 : vector<136x800xi1> to vector<136x800xi32>
        %reduce_sum3A = arith.constant dense<0> : vector<136xi32>
        %reduce_sum3A_210 = vector.multi_reduction <add>, %convert_element_type3A_209, %reduce_sum3A [1] : vector<136x800xi32> to vector<136xi32>
        %broadcast_in_dim3A_211 = vector.shape_cast %reduce_sum3A_210 : vector<136xi32> to vector<136x1xi32>
        %add3A_212 = arith.addi %scan3A_203, %broadcast_in_dim3A_211 : vector<136x1xi32>
        scf.yield %add3A_212 : vector<136x1xi32>
      }
      %scan3A_188 = arith.constant 125 : i32
      %swap3A_189 = arith.constant 0 : index
      %swap3A_190 = arith.constant 0 : index
      %swap3A_191 = vector.load %arg11[%swap3A_189, %swap3A_190] : memref<136x1xi32, #tpu.memory_space<vmem>>, vector<136x1xi32>
      tpu.vector_store %arg11[%swap3A_189, %swap3A_190], %scan3A_187 {strides = array<i32>} : memref<136x1xi32, #tpu.memory_space<vmem>>, vector<136x1xi32>,
      %broadcast_in_dim3A_192 = arith.constant 0.000000e+00 : f32
      %broadcast_in_dim3A_193 = vector.broadcast %broadcast_in_dim3A_192 : f32 to vector<128x65xf32>
      %swap3A_194 = arith.constant 0 : index
      %swap3A_195 = arith.constant 0 : index
      %swap3A_196 = vector.load %arg12[%swap3A_194, %swap3A_195] : memref<128x65xf32, #tpu.memory_space<vmem>>, vector<128x65xf32>
      tpu.vector_store %arg12[%swap3A_194, %swap3A_195], %broadcast_in_dim3A_193 {strides = array<i32>} : memref<128x65xf32, #tpu.memory_space<vmem>>, vector<128x65xf32>,
      %scan3A_197 = arith.constant 0 : i32
      %scan3A_198 = arith.constant 6 : i32
      %scan3A_199 = arith.addi %scan3A_197, %scan3A_198 : i32
      %scan3A_200 = arith.constant 1 : i32
      scf.for %scan3A_202 = %scan3A_197 to %scan3A_199 step %scan3A_200  : i32 {
        %jit3A_203 = arith.constant 8 : i32
        %eq3A_204 = arith.constant 0 : i32
        %eq3A_205 = arith.cmpi eq, %jit3A_203, %eq3A_204 : i32
        %jit3A_206 = arith.constant 1 : i32
        %select_n3A_207 = arith.select %eq3A_205, %jit3A_206, %jit3A_203 : i32
        %rem3A_208 = arith.remsi %scan3A_202, %select_n3A_207 : i32
        %ne3A_209 = arith.constant 0 : i32
        %ne3A_210 = arith.cmpi ne, %rem3A_208, %ne3A_209 : i32
        %lt3A_211 = arith.constant 0 : i32
        %lt3A_212 = arith.cmpi slt, %rem3A_208, %lt3A_211 : i32
        %lt3A_213 = arith.constant 0 : i32
        %lt3A_214 = arith.cmpi slt, %select_n3A_207, %lt3A_213 : i32
        %ne3A_215 = arith.xori %lt3A_212, %lt3A_214 : i1
        %and3A_216 = arith.andi %ne3A_215, %ne3A_210 : i1
        %add3A_217 = arith.addi %rem3A_208, %select_n3A_207 : i32
        %select_n3A_218 = arith.select %and3A_216, %add3A_217, %rem3A_208 : i32
        %dma_start3A = tpu.memref_slice %arg15[%select_n3A_218] : memref<8x!tpu.dma_semaphore, #tpu.memory_space<semaphore_mem>> -> memref<1x!tpu.dma_semaphore, #tpu.memory_space<semaphore_mem>>
        %dma_start3A_219 = tpu.memref_squeeze %dma_start3A : memref<1x!tpu.dma_semaphore, #tpu.memory_space<semaphore_mem>> -> memref<!tpu.dma_semaphore, #tpu.memory_space<semaphore_mem>>
        %dma_start3A_220 = arith.constant 0 : i32
        %dma_start3A_221 = arith.constant 0 : i32
        %dma_start3A_222 = tpu.memref_slice %arg13[%select_n3A_218, %dma_start3A_220, %dma_start3A_221] : memref<8x3200x8xi32, #tpu.memory_space<vmem>> -> memref<1x3200x8xi32, #tpu.memory_space<vmem>>
        %dma_start3A_223 = tpu.memref_squeeze %dma_start3A_222 : memref<1x3200x8xi32, #tpu.memory_space<vmem>> -> memref<3200x8xi32, #tpu.memory_space<vmem>>
        %dma_start3A_224 = arith.constant 0 : i32
        %dma_start3A_225 = arith.constant 0 : i32
        %dma_start3A_226 = tpu.memref_slice %arg1[%scan3A_202, %dma_start3A_224, %dma_start3A_225] : memref<125x3200x8xi32, #tpu.memory_space<any>> -> memref<1x3200x8xi32, #tpu.memory_space<any>>
        %dma_start3A_227 = tpu.memref_squeeze %dma_start3A_226 : memref<1x3200x8xi32, #tpu.memory_space<any>> -> memref<3200x8xi32, #tpu.memory_space<any>>
        tpu.enqueue_dma source(%dma_start3A_227 : memref<3200x8xi32, #tpu.memory_space<any>>) target(%dma_start3A_223 : memref<3200x8xi32, #tpu.memory_space<vmem>>) target_semaphore(%dma_start3A_219 : memref<!tpu.dma_semaphore, #tpu.memory_space<semaphore_mem>>)
        %dma_start3A_228 = tpu.memref_slice %arg16[%select_n3A_218] : memref<8x!tpu.dma_semaphore, #tpu.memory_space<semaphore_mem>> -> memref<1x!tpu.dma_semaphore, #tpu.memory_space<semaphore_mem>>
        %dma_start3A_229 = tpu.memref_squeeze %dma_start3A_228 : memref<1x!tpu.dma_semaphore, #tpu.memory_space<semaphore_mem>> -> memref<!tpu.dma_semaphore, #tpu.memory_space<semaphore_mem>>
        %dma_start3A_230 = arith.constant 0 : i32
        %dma_start3A_231 = arith.constant 0 : i32
        %dma_start3A_232 = tpu.memref_slice %arg14[%select_n3A_218, %dma_start3A_230, %dma_start3A_231] : memref<8x3200x128xbf16, #tpu.memory_space<vmem>> -> memref<1x3200x128xbf16, #tpu.memory_space<vmem>>
        %dma_start3A_233 = tpu.memref_squeeze %dma_start3A_232 : memref<1x3200x128xbf16, #tpu.memory_space<vmem>> -> memref<3200x128xbf16, #tpu.memory_space<vmem>>
        %dma_start3A_234 = arith.constant 0 : i32
        %dma_start3A_235 = arith.constant 0 : i32
        %dma_start3A_236 = tpu.memref_slice %arg2[%scan3A_202, %dma_start3A_234, %dma_start3A_235] : memref<125x3200x128xbf16, #tpu.memory_space<any>> -> memref<1x3200x128xbf16, #tpu.memory_space<any>>
        %dma_start3A_237 = tpu.memref_squeeze %dma_start3A_236 : memref<1x3200x128xbf16, #tpu.memory_space<any>> -> memref<3200x128xbf16, #tpu.memory_space<any>>
        tpu.enqueue_dma source(%dma_start3A_237 : memref<3200x128xbf16, #tpu.memory_space<any>>) target(%dma_start3A_233 : memref<3200x128xbf16, #tpu.memory_space<vmem>>) target_semaphore(%dma_start3A_229 : memref<!tpu.dma_semaphore, #tpu.memory_space<semaphore_mem>>)
      }
      %scan3A_201 = arith.constant 6 : i32
    } else {
    }
    %add3A = arith.constant 6 : i32
    %add3A_2 = arith.addi %arg0, %add3A : i32
    %lt3A = arith.constant 125 : i32
    %lt3A_3 = arith.cmpi slt, %add3A_2, %lt3A : i32
    %convert_element_type3A_4 = arith.extui %lt3A_3 : i1 to i32
    %cond3A_5 = arith.constant 0 : i32
    %cond3A_6 = arith.cmpi ne, %convert_element_type3A_4, %cond3A_5 : i32
    scf.if %cond3A_6 {
      %jit3A_182 = arith.constant 8 : i32
      %eq3A_183 = arith.constant 0 : i32
      %eq3A_184 = arith.cmpi eq, %jit3A_182, %eq3A_183 : i32
      %jit3A_185 = arith.constant 1 : i32
      %select_n3A_186 = arith.select %eq3A_184, %jit3A_185, %jit3A_182 : i32
      %rem3A_187 = arith.remsi %add3A_2, %select_n3A_186 : i32
      %ne3A_188 = arith.constant 0 : i32
      %ne3A_189 = arith.cmpi ne, %rem3A_187, %ne3A_188 : i32
      %lt3A_190 = arith.constant 0 : i32
      %lt3A_191 = arith.cmpi slt, %rem3A_187, %lt3A_190 : i32
      %lt3A_192 = arith.constant 0 : i32
      %lt3A_193 = arith.cmpi slt, %select_n3A_186, %lt3A_192 : i32
      %ne3A_194 = arith.xori %lt3A_191, %lt3A_193 : i1
      %and3A_195 = arith.andi %ne3A_194, %ne3A_189 : i1
      %add3A_196 = arith.addi %rem3A_187, %select_n3A_186 : i32
      %select_n3A_197 = arith.select %and3A_195, %add3A_196, %rem3A_187 : i32
      %dma_start3A = tpu.memref_slice %arg15[%select_n3A_197] : memref<8x!tpu.dma_semaphore, #tpu.memory_space<semaphore_mem>> -> memref<1x!tpu.dma_semaphore, #tpu.memory_space<semaphore_mem>>
      %dma_start3A_198 = tpu.memref_squeeze %dma_start3A : memref<1x!tpu.dma_semaphore, #tpu.memory_space<semaphore_mem>> -> memref<!tpu.dma_semaphore, #tpu.memory_space<semaphore_mem>>
      %dma_start3A_199 = arith.constant 0 : i32
      %dma_start3A_200 = arith.constant 0 : i32
      %dma_start3A_201 = tpu.memref_slice %arg13[%select_n3A_197, %dma_start3A_199, %dma_start3A_200] : memref<8x3200x8xi32, #tpu.memory_space<vmem>> -> memref<1x3200x8xi32, #tpu.memory_space<vmem>>
      %dma_start3A_202 = tpu.memref_squeeze %dma_start3A_201 : memref<1x3200x8xi32, #tpu.memory_space<vmem>> -> memref<3200x8xi32, #tpu.memory_space<vmem>>
      %dma_start3A_203 = arith.constant 0 : i32
      %dma_start3A_204 = arith.constant 0 : i32
      %dma_start3A_205 = tpu.memref_slice %arg1[%add3A_2, %dma_start3A_203, %dma_start3A_204] : memref<125x3200x8xi32, #tpu.memory_space<any>> -> memref<1x3200x8xi32, #tpu.memory_space<any>>
      %dma_start3A_206 = tpu.memref_squeeze %dma_start3A_205 : memref<1x3200x8xi32, #tpu.memory_space<any>> -> memref<3200x8xi32, #tpu.memory_space<any>>
      tpu.enqueue_dma source(%dma_start3A_206 : memref<3200x8xi32, #tpu.memory_space<any>>) target(%dma_start3A_202 : memref<3200x8xi32, #tpu.memory_space<vmem>>) target_semaphore(%dma_start3A_198 : memref<!tpu.dma_semaphore, #tpu.memory_space<semaphore_mem>>)
      %dma_start3A_207 = tpu.memref_slice %arg16[%select_n3A_197] : memref<8x!tpu.dma_semaphore, #tpu.memory_space<semaphore_mem>> -> memref<1x!tpu.dma_semaphore, #tpu.memory_space<semaphore_mem>>
      %dma_start3A_208 = tpu.memref_squeeze %dma_start3A_207 : memref<1x!tpu.dma_semaphore, #tpu.memory_space<semaphore_mem>> -> memref<!tpu.dma_semaphore, #tpu.memory_space<semaphore_mem>>
      %dma_start3A_209 = arith.constant 0 : i32
      %dma_start3A_210 = arith.constant 0 : i32
      %dma_start3A_211 = tpu.memref_slice %arg14[%select_n3A_197, %dma_start3A_209, %dma_start3A_210] : memref<8x3200x128xbf16, #tpu.memory_space<vmem>> -> memref<1x3200x128xbf16, #tpu.memory_space<vmem>>
      %dma_start3A_212 = tpu.memref_squeeze %dma_start3A_211 : memref<1x3200x128xbf16, #tpu.memory_space<vmem>> -> memref<3200x128xbf16, #tpu.memory_space<vmem>>
      %dma_start3A_213 = arith.constant 0 : i32
      %dma_start3A_214 = arith.constant 0 : i32
      %dma_start3A_215 = tpu.memref_slice %arg2[%add3A_2, %dma_start3A_213, %dma_start3A_214] : memref<125x3200x128xbf16, #tpu.memory_space<any>> -> memref<1x3200x128xbf16, #tpu.memory_space<any>>
      %dma_start3A_216 = tpu.memref_squeeze %dma_start3A_215 : memref<1x3200x128xbf16, #tpu.memory_space<any>> -> memref<3200x128xbf16, #tpu.memory_space<any>>
      tpu.enqueue_dma source(%dma_start3A_216 : memref<3200x128xbf16, #tpu.memory_space<any>>) target(%dma_start3A_212 : memref<3200x128xbf16, #tpu.memory_space<vmem>>) target_semaphore(%dma_start3A_208 : memref<!tpu.dma_semaphore, #tpu.memory_space<semaphore_mem>>)
    } else {
    }
    %jit3A = arith.constant 8 : i32
    %eq3A_7 = arith.constant 0 : i32
    %eq3A_8 = arith.cmpi eq, %jit3A, %eq3A_7 : i32
    %jit3A_9 = arith.constant 1 : i32
    %select_n3A = arith.select %eq3A_8, %jit3A_9, %jit3A : i32
    %rem3A = arith.remsi %arg0, %select_n3A : i32
    %ne3A = arith.constant 0 : i32
    %ne3A_10 = arith.cmpi ne, %rem3A, %ne3A : i32
    %lt3A_11 = arith.constant 0 : i32
    %lt3A_12 = arith.cmpi slt, %rem3A, %lt3A_11 : i32
    %lt3A_13 = arith.constant 0 : i32
    %lt3A_14 = arith.cmpi slt, %select_n3A, %lt3A_13 : i32
    %ne3A_15 = arith.xori %lt3A_12, %lt3A_14 : i1
    %and3A = arith.andi %ne3A_15, %ne3A_10 : i1
    %add3A_16 = arith.addi %rem3A, %select_n3A : i32
    %select_n3A_17 = arith.select %and3A, %add3A_16, %rem3A : i32
    %dma_wait3A = tpu.memref_slice %arg15[%select_n3A_17] : memref<8x!tpu.dma_semaphore, #tpu.memory_space<semaphore_mem>> -> memref<1x!tpu.dma_semaphore, #tpu.memory_space<semaphore_mem>>
    %dma_wait3A_18 = tpu.memref_squeeze %dma_wait3A : memref<1x!tpu.dma_semaphore, #tpu.memory_space<semaphore_mem>> -> memref<!tpu.dma_semaphore, #tpu.memory_space<semaphore_mem>>
    %dma_wait3A_19 = arith.constant 0 : i32
    %dma_wait3A_20 = arith.constant 0 : i32
    %dma_wait3A_21 = tpu.memref_slice %arg13[%select_n3A_17, %dma_wait3A_19, %dma_wait3A_20] : memref<8x3200x8xi32, #tpu.memory_space<vmem>> -> memref<1x3200x8xi32, #tpu.memory_space<vmem>>
    %dma_wait3A_22 = tpu.memref_squeeze %dma_wait3A_21 : memref<1x3200x8xi32, #tpu.memory_space<vmem>> -> memref<3200x8xi32, #tpu.memory_space<vmem>>
    %dma_wait3A_23 = arith.constant 0 : i32
    %dma_wait3A_24 = arith.constant 0 : i32
    %dma_wait3A_25 = tpu.memref_slice %arg1[%arg0, %dma_wait3A_23, %dma_wait3A_24] : memref<125x3200x8xi32, #tpu.memory_space<any>> -> memref<1x3200x8xi32, #tpu.memory_space<any>>
    %dma_wait3A_26 = tpu.memref_squeeze %dma_wait3A_25 : memref<1x3200x8xi32, #tpu.memory_space<any>> -> memref<3200x8xi32, #tpu.memory_space<any>>
    tpu.wait_dma2 semaphore(%dma_wait3A_18 : memref<!tpu.dma_semaphore, #tpu.memory_space<semaphore_mem>>) src(%dma_wait3A_26 : memref<3200x8xi32, #tpu.memory_space<any>>) dst(%dma_wait3A_22 : memref<3200x8xi32, #tpu.memory_space<vmem>>)
    %dma_wait3A_27 = tpu.memref_slice %arg16[%select_n3A_17] : memref<8x!tpu.dma_semaphore, #tpu.memory_space<semaphore_mem>> -> memref<1x!tpu.dma_semaphore, #tpu.memory_space<semaphore_mem>>
    %dma_wait3A_28 = tpu.memref_squeeze %dma_wait3A_27 : memref<1x!tpu.dma_semaphore, #tpu.memory_space<semaphore_mem>> -> memref<!tpu.dma_semaphore, #tpu.memory_space<semaphore_mem>>
    %dma_wait3A_29 = arith.constant 0 : i32
    %dma_wait3A_30 = arith.constant 0 : i32
    %dma_wait3A_31 = tpu.memref_slice %arg14[%select_n3A_17, %dma_wait3A_29, %dma_wait3A_30] : memref<8x3200x128xbf16, #tpu.memory_space<vmem>> -> memref<1x3200x128xbf16, #tpu.memory_space<vmem>>
    %dma_wait3A_32 = tpu.memref_squeeze %dma_wait3A_31 : memref<1x3200x128xbf16, #tpu.memory_space<vmem>> -> memref<3200x128xbf16, #tpu.memory_space<vmem>>
    %dma_wait3A_33 = arith.constant 0 : i32
    %dma_wait3A_34 = arith.constant 0 : i32
    %dma_wait3A_35 = tpu.memref_slice %arg2[%arg0, %dma_wait3A_33, %dma_wait3A_34] : memref<125x3200x128xbf16, #tpu.memory_space<any>> -> memref<1x3200x128xbf16, #tpu.memory_space<any>>
    %dma_wait3A_36 = tpu.memref_squeeze %dma_wait3A_35 : memref<1x3200x128xbf16, #tpu.memory_space<any>> -> memref<3200x128xbf16, #tpu.memory_space<any>>
    tpu.wait_dma2 semaphore(%dma_wait3A_28 : memref<!tpu.dma_semaphore, #tpu.memory_space<semaphore_mem>>) src(%dma_wait3A_36 : memref<3200x128xbf16, #tpu.memory_space<any>>) dst(%dma_wait3A_32 : memref<3200x128xbf16, #tpu.memory_space<vmem>>)
    %get3A = arith.index_cast %select_n3A_17 : i32 to index
    %get3A_37 = arith.constant 0 : index
    %get3A_38 = arith.constant 0 : index
    %get3A_39 = vector.load %arg13[%get3A, %get3A_37, %get3A_38] : memref<8x3200x8xi32, #tpu.memory_space<vmem>>, vector<1x3200x8xi32>
    %get3A_40 = vector.shape_cast %get3A_39 : vector<1x3200x8xi32> to vector<3200x8xi32>
    %transpose3A = tpu.transpose %get3A_40, [1, 0] : vector<3200x8xi32> -> vector<8x3200xi32>
    %get3A_41 = arith.index_cast %select_n3A_17 : i32 to index
    %get3A_42 = arith.constant 0 : index
    %get3A_43 = arith.constant 0 : index
    %get3A_44 = vector.load %arg14[%get3A_41, %get3A_42, %get3A_43] : memref<8x3200x128xbf16, #tpu.memory_space<vmem>>, vector<1x3200x128xbf16>
    %get3A_45 = vector.shape_cast %get3A_44 : vector<1x3200x128xbf16> to vector<3200x128xbf16>
    %get3A_46 = arith.constant 0 : index
    %get3A_47 = arith.constant 0 : index
    %get3A_48 = vector.load %arg4[%get3A_46, %get3A_47] : memref<128x576xbf16, #tpu.memory_space<vmem>>, vector<128x576xbf16>
    %dot_general3A = arith.constant dense<0.000000e+00> : vector<3200x576xf32>
    %dot_general3A_49 = tpu.matmul %get3A_45, %get3A_48, %dot_general3A {dimension_numbers = #tpu.dot_dimension_numbers<[1], [0], [0], [1], [0, 0, 1, 1], [], []>, transpose_lhs_hint = false} : vector<3200x128xbf16>, vector<128x576xbf16>, vector<3200x576xf32> -> vector<3200x576xf32>
    %get3A_50 = arith.constant 0 : index
    %get3A_51 = arith.constant 0 : index
    %get3A_52 = vector.load %arg5[%get3A_50, %get3A_51] : memref<1x576xf32, #tpu.memory_space<vmem>>, vector<1x576xf32>
    %add3A_53 = vector.broadcast %get3A_52 : vector<1x576xf32> to vector<3200x576xf32>
    %add3A_54 = arith.addf %dot_general3A_49, %add3A_53 : vector<3200x576xf32>
    %max3A = arith.constant 0.000000e+00 : f32
    %max3A_55 = vector.broadcast %max3A : f32 to vector<3200x576xf32>
    %max3A_56 = arith.maximumf %add3A_54, %max3A_55 : vector<3200x576xf32>
    %convert_element_type3A_57 = arith.truncf %max3A_56 : vector<3200x576xf32> to vector<3200x576xbf16>
    %get3A_58 = arith.constant 0 : index
    %get3A_59 = arith.constant 0 : index
    %get3A_60 = vector.load %arg11[%get3A_58, %get3A_59] : memref<136x1xi32, #tpu.memory_space<vmem>>, vector<136x1xi32>
    %slice3A = vector.extract_strided_slice %transpose3A {offsets = [0, 0], sizes = [1, 3200], strides = [1, 1]} : vector<8x3200xi32> to vector<1x3200xi32>
    %ge3A = vector.broadcast %slice3A : vector<1x3200xi32> to vector<136x3200xi32>
    %ge3A_61 = vector.broadcast %get3A_60 : vector<136x1xi32> to vector<136x3200xi32>
    %ge3A_62 = arith.cmpi sge, %ge3A, %ge3A_61 : vector<136x3200xi32>
    %jit3A_63 = arith.constant 1.000000e+00 : f32
    %jit3A_64 = arith.constant 0.000000e+00 : f32
    %broadcast_in_dim3A = vector.broadcast %jit3A_63 : f32 to vector<136x3200xf32>
    %broadcast_in_dim3A_65 = vector.broadcast %jit3A_64 : f32 to vector<136x3200xf32>
    %select_n3A_66 = arith.select %ge3A_62, %broadcast_in_dim3A, %broadcast_in_dim3A_65 : vector<136x3200xi1>, vector<136x3200xf32>
    %slice3A_67 = vector.extract_strided_slice %convert_element_type3A_57 {offsets = [0, 0], sizes = [3200, 65], strides = [1, 1]} : vector<3200x576xbf16> to vector<3200x65xbf16>
    %convert_element_type3A_68 = arith.truncf %select_n3A_66 : vector<136x3200xf32> to vector<136x3200xbf16>
    %dot_general3A_69 = arith.constant dense<0.000000e+00> : vector<136x65xf32>
    %dot_general3A_70 = tpu.matmul %convert_element_type3A_68, %slice3A_67, %dot_general3A_69 {dimension_numbers = #tpu.dot_dimension_numbers<[1], [0], [0], [1], [0, 0, 1, 1], [], []>, transpose_lhs_hint = false} : vector<136x3200xbf16>, vector<3200x65xbf16>, vector<136x65xf32> -> vector<136x65xf32>
    %slice3A_71 = vector.extract_strided_slice %transpose3A {offsets = [1, 0], sizes = [1, 3200], strides = [1, 1]} : vector<8x3200xi32> to vector<1x3200xi32>
    %ge3A_72 = vector.broadcast %slice3A_71 : vector<1x3200xi32> to vector<136x3200xi32>
    %ge3A_73 = vector.broadcast %get3A_60 : vector<136x1xi32> to vector<136x3200xi32>
    %ge3A_74 = arith.cmpi sge, %ge3A_72, %ge3A_73 : vector<136x3200xi32>
    %jit3A_75 = arith.constant 1.000000e+00 : f32
    %jit3A_76 = arith.constant 0.000000e+00 : f32
    %broadcast_in_dim3A_77 = vector.broadcast %jit3A_75 : f32 to vector<136x3200xf32>
    %broadcast_in_dim3A_78 = vector.broadcast %jit3A_76 : f32 to vector<136x3200xf32>
    %select_n3A_79 = arith.select %ge3A_74, %broadcast_in_dim3A_77, %broadcast_in_dim3A_78 : vector<136x3200xi1>, vector<136x3200xf32>
    %slice3A_80 = vector.extract_strided_slice %convert_element_type3A_57 {offsets = [0, 72], sizes = [3200, 65], strides = [1, 1]} : vector<3200x576xbf16> to vector<3200x65xbf16>
    %convert_element_type3A_81 = arith.truncf %select_n3A_79 : vector<136x3200xf32> to vector<136x3200xbf16>
    %dot_general3A_82 = arith.constant dense<0.000000e+00> : vector<136x65xf32>
    %dot_general3A_83 = tpu.matmul %convert_element_type3A_81, %slice3A_80, %dot_general3A_82 {dimension_numbers = #tpu.dot_dimension_numbers<[1], [0], [0], [1], [0, 0, 1, 1], [], []>, transpose_lhs_hint = false} : vector<136x3200xbf16>, vector<3200x65xbf16>, vector<136x65xf32> -> vector<136x65xf32>
    %add3A_84 = arith.addf %dot_general3A_70, %dot_general3A_83 : vector<136x65xf32>
    %slice3A_85 = vector.extract_strided_slice %transpose3A {offsets = [2, 0], sizes = [1, 3200], strides = [1, 1]} : vector<8x3200xi32> to vector<1x3200xi32>
    %ge3A_86 = vector.broadcast %slice3A_85 : vector<1x3200xi32> to vector<136x3200xi32>
    %ge3A_87 = vector.broadcast %get3A_60 : vector<136x1xi32> to vector<136x3200xi32>
    %ge3A_88 = arith.cmpi sge, %ge3A_86, %ge3A_87 : vector<136x3200xi32>
    %jit3A_89 = arith.constant 1.000000e+00 : f32
    %jit3A_90 = arith.constant 0.000000e+00 : f32
    %broadcast_in_dim3A_91 = vector.broadcast %jit3A_89 : f32 to vector<136x3200xf32>
    %broadcast_in_dim3A_92 = vector.broadcast %jit3A_90 : f32 to vector<136x3200xf32>
    %select_n3A_93 = arith.select %ge3A_88, %broadcast_in_dim3A_91, %broadcast_in_dim3A_92 : vector<136x3200xi1>, vector<136x3200xf32>
    %slice3A_94 = vector.extract_strided_slice %convert_element_type3A_57 {offsets = [0, 144], sizes = [3200, 65], strides = [1, 1]} : vector<3200x576xbf16> to vector<3200x65xbf16>
    %convert_element_type3A_95 = arith.truncf %select_n3A_93 : vector<136x3200xf32> to vector<136x3200xbf16>
    %dot_general3A_96 = arith.constant dense<0.000000e+00> : vector<136x65xf32>
    %dot_general3A_97 = tpu.matmul %convert_element_type3A_95, %slice3A_94, %dot_general3A_96 {dimension_numbers = #tpu.dot_dimension_numbers<[1], [0], [0], [1], [0, 0, 1, 1], [], []>, transpose_lhs_hint = false} : vector<136x3200xbf16>, vector<3200x65xbf16>, vector<136x65xf32> -> vector<136x65xf32>
    %add3A_98 = arith.addf %add3A_84, %dot_general3A_97 : vector<136x65xf32>
    %slice3A_99 = vector.extract_strided_slice %transpose3A {offsets = [3, 0], sizes = [1, 3200], strides = [1, 1]} : vector<8x3200xi32> to vector<1x3200xi32>
    %ge3A_100 = vector.broadcast %slice3A_99 : vector<1x3200xi32> to vector<136x3200xi32>
    %ge3A_101 = vector.broadcast %get3A_60 : vector<136x1xi32> to vector<136x3200xi32>
    %ge3A_102 = arith.cmpi sge, %ge3A_100, %ge3A_101 : vector<136x3200xi32>
    %jit3A_103 = arith.constant 1.000000e+00 : f32
    %jit3A_104 = arith.constant 0.000000e+00 : f32
    %broadcast_in_dim3A_105 = vector.broadcast %jit3A_103 : f32 to vector<136x3200xf32>
    %broadcast_in_dim3A_106 = vector.broadcast %jit3A_104 : f32 to vector<136x3200xf32>
    %select_n3A_107 = arith.select %ge3A_102, %broadcast_in_dim3A_105, %broadcast_in_dim3A_106 : vector<136x3200xi1>, vector<136x3200xf32>
    %slice3A_108 = vector.extract_strided_slice %convert_element_type3A_57 {offsets = [0, 216], sizes = [3200, 65], strides = [1, 1]} : vector<3200x576xbf16> to vector<3200x65xbf16>
    %convert_element_type3A_109 = arith.truncf %select_n3A_107 : vector<136x3200xf32> to vector<136x3200xbf16>
    %dot_general3A_110 = arith.constant dense<0.000000e+00> : vector<136x65xf32>
    %dot_general3A_111 = tpu.matmul %convert_element_type3A_109, %slice3A_108, %dot_general3A_110 {dimension_numbers = #tpu.dot_dimension_numbers<[1], [0], [0], [1], [0, 0, 1, 1], [], []>, transpose_lhs_hint = false} : vector<136x3200xbf16>, vector<3200x65xbf16>, vector<136x65xf32> -> vector<136x65xf32>
    %add3A_112 = arith.addf %add3A_98, %dot_general3A_111 : vector<136x65xf32>
    %slice3A_113 = vector.extract_strided_slice %transpose3A {offsets = [4, 0], sizes = [1, 3200], strides = [1, 1]} : vector<8x3200xi32> to vector<1x3200xi32>
    %ge3A_114 = vector.broadcast %slice3A_113 : vector<1x3200xi32> to vector<136x3200xi32>
    %ge3A_115 = vector.broadcast %get3A_60 : vector<136x1xi32> to vector<136x3200xi32>
    %ge3A_116 = arith.cmpi sge, %ge3A_114, %ge3A_115 : vector<136x3200xi32>
    %jit3A_117 = arith.constant 1.000000e+00 : f32
    %jit3A_118 = arith.constant 0.000000e+00 : f32
    %broadcast_in_dim3A_119 = vector.broadcast %jit3A_117 : f32 to vector<136x3200xf32>
    %broadcast_in_dim3A_120 = vector.broadcast %jit3A_118 : f32 to vector<136x3200xf32>
    %select_n3A_121 = arith.select %ge3A_116, %broadcast_in_dim3A_119, %broadcast_in_dim3A_120 : vector<136x3200xi1>, vector<136x3200xf32>
    %slice3A_122 = vector.extract_strided_slice %convert_element_type3A_57 {offsets = [0, 288], sizes = [3200, 65], strides = [1, 1]} : vector<3200x576xbf16> to vector<3200x65xbf16>
    %convert_element_type3A_123 = arith.truncf %select_n3A_121 : vector<136x3200xf32> to vector<136x3200xbf16>
    %dot_general3A_124 = arith.constant dense<0.000000e+00> : vector<136x65xf32>
    %dot_general3A_125 = tpu.matmul %convert_element_type3A_123, %slice3A_122, %dot_general3A_124 {dimension_numbers = #tpu.dot_dimension_numbers<[1], [0], [0], [1], [0, 0, 1, 1], [], []>, transpose_lhs_hint = false} : vector<136x3200xbf16>, vector<3200x65xbf16>, vector<136x65xf32> -> vector<136x65xf32>
    %add3A_126 = arith.addf %add3A_112, %dot_general3A_125 : vector<136x65xf32>
    %slice3A_127 = vector.extract_strided_slice %transpose3A {offsets = [5, 0], sizes = [1, 3200], strides = [1, 1]} : vector<8x3200xi32> to vector<1x3200xi32>
    %ge3A_128 = vector.broadcast %slice3A_127 : vector<1x3200xi32> to vector<136x3200xi32>
    %ge3A_129 = vector.broadcast %get3A_60 : vector<136x1xi32> to vector<136x3200xi32>
    %ge3A_130 = arith.cmpi sge, %ge3A_128, %ge3A_129 : vector<136x3200xi32>
    %jit3A_131 = arith.constant 1.000000e+00 : f32
    %jit3A_132 = arith.constant 0.000000e+00 : f32
    %broadcast_in_dim3A_133 = vector.broadcast %jit3A_131 : f32 to vector<136x3200xf32>
    %broadcast_in_dim3A_134 = vector.broadcast %jit3A_132 : f32 to vector<136x3200xf32>
    %select_n3A_135 = arith.select %ge3A_130, %broadcast_in_dim3A_133, %broadcast_in_dim3A_134 : vector<136x3200xi1>, vector<136x3200xf32>
    %slice3A_136 = vector.extract_strided_slice %convert_element_type3A_57 {offsets = [0, 360], sizes = [3200, 65], strides = [1, 1]} : vector<3200x576xbf16> to vector<3200x65xbf16>
    %convert_element_type3A_137 = arith.truncf %select_n3A_135 : vector<136x3200xf32> to vector<136x3200xbf16>
    %dot_general3A_138 = arith.constant dense<0.000000e+00> : vector<136x65xf32>
    %dot_general3A_139 = tpu.matmul %convert_element_type3A_137, %slice3A_136, %dot_general3A_138 {dimension_numbers = #tpu.dot_dimension_numbers<[1], [0], [0], [1], [0, 0, 1, 1], [], []>, transpose_lhs_hint = false} : vector<136x3200xbf16>, vector<3200x65xbf16>, vector<136x65xf32> -> vector<136x65xf32>
    %add3A_140 = arith.addf %add3A_126, %dot_general3A_139 : vector<136x65xf32>
    %slice3A_141 = vector.extract_strided_slice %transpose3A {offsets = [6, 0], sizes = [1, 3200], strides = [1, 1]} : vector<8x3200xi32> to vector<1x3200xi32>
    %ge3A_142 = vector.broadcast %slice3A_141 : vector<1x3200xi32> to vector<136x3200xi32>
    %ge3A_143 = vector.broadcast %get3A_60 : vector<136x1xi32> to vector<136x3200xi32>
    %ge3A_144 = arith.cmpi sge, %ge3A_142, %ge3A_143 : vector<136x3200xi32>
    %jit3A_145 = arith.constant 1.000000e+00 : f32
    %jit3A_146 = arith.constant 0.000000e+00 : f32
    %broadcast_in_dim3A_147 = vector.broadcast %jit3A_145 : f32 to vector<136x3200xf32>
    %broadcast_in_dim3A_148 = vector.broadcast %jit3A_146 : f32 to vector<136x3200xf32>
    %select_n3A_149 = arith.select %ge3A_144, %broadcast_in_dim3A_147, %broadcast_in_dim3A_148 : vector<136x3200xi1>, vector<136x3200xf32>
    %slice3A_150 = vector.extract_strided_slice %convert_element_type3A_57 {offsets = [0, 432], sizes = [3200, 65], strides = [1, 1]} : vector<3200x576xbf16> to vector<3200x65xbf16>
    %convert_element_type3A_151 = arith.truncf %select_n3A_149 : vector<136x3200xf32> to vector<136x3200xbf16>
    %dot_general3A_152 = arith.constant dense<0.000000e+00> : vector<136x65xf32>
    %dot_general3A_153 = tpu.matmul %convert_element_type3A_151, %slice3A_150, %dot_general3A_152 {dimension_numbers = #tpu.dot_dimension_numbers<[1], [0], [0], [1], [0, 0, 1, 1], [], []>, transpose_lhs_hint = false} : vector<136x3200xbf16>, vector<3200x65xbf16>, vector<136x65xf32> -> vector<136x65xf32>
    %add3A_154 = arith.addf %add3A_140, %dot_general3A_153 : vector<136x65xf32>
    %slice3A_155 = vector.extract_strided_slice %transpose3A {offsets = [7, 0], sizes = [1, 3200], strides = [1, 1]} : vector<8x3200xi32> to vector<1x3200xi32>
    %ge3A_156 = vector.broadcast %slice3A_155 : vector<1x3200xi32> to vector<136x3200xi32>
    %ge3A_157 = vector.broadcast %get3A_60 : vector<136x1xi32> to vector<136x3200xi32>
    %ge3A_158 = arith.cmpi sge, %ge3A_156, %ge3A_157 : vector<136x3200xi32>
    %jit3A_159 = arith.constant 1.000000e+00 : f32
    %jit3A_160 = arith.constant 0.000000e+00 : f32
    %broadcast_in_dim3A_161 = vector.broadcast %jit3A_159 : f32 to vector<136x3200xf32>
    %broadcast_in_dim3A_162 = vector.broadcast %jit3A_160 : f32 to vector<136x3200xf32>
    %select_n3A_163 = arith.select %ge3A_158, %broadcast_in_dim3A_161, %broadcast_in_dim3A_162 : vector<136x3200xi1>, vector<136x3200xf32>
    %slice3A_164 = vector.extract_strided_slice %convert_element_type3A_57 {offsets = [0, 504], sizes = [3200, 65], strides = [1, 1]} : vector<3200x576xbf16> to vector<3200x65xbf16>
    %convert_element_type3A_165 = arith.truncf %select_n3A_163 : vector<136x3200xf32> to vector<136x3200xbf16>
    %dot_general3A_166 = arith.constant dense<0.000000e+00> : vector<136x65xf32>
    %dot_general3A_167 = tpu.matmul %convert_element_type3A_165, %slice3A_164, %dot_general3A_166 {dimension_numbers = #tpu.dot_dimension_numbers<[1], [0], [0], [1], [0, 0, 1, 1], [], []>, transpose_lhs_hint = false} : vector<136x3200xbf16>, vector<3200x65xbf16>, vector<136x65xf32> -> vector<136x65xf32>
    %add3A_168 = arith.addf %add3A_154, %dot_general3A_167 : vector<136x65xf32>
    %get3A_169 = arith.constant 0 : index
    %get3A_170 = arith.constant 0 : index
    %get3A_171 = vector.load %arg12[%get3A_169, %get3A_170] : memref<128x65xf32, #tpu.memory_space<vmem>>, vector<128x65xf32>
    %slice3A_172 = vector.extract_strided_slice %add3A_168 {offsets = [0, 0], sizes = [128, 65], strides = [1, 1]} : vector<136x65xf32> to vector<128x65xf32>
    %slice3A_173 = vector.extract_strided_slice %add3A_168 {offsets = [1, 0], sizes = [128, 65], strides = [1, 1]} : vector<136x65xf32> to vector<128x65xf32>
    %sub3A = arith.subf %slice3A_172, %slice3A_173 : vector<128x65xf32>
    %add3A_174 = arith.addf %get3A_171, %sub3A : vector<128x65xf32>
    %swap3A = arith.constant 0 : index
    %swap3A_175 = arith.constant 0 : index
    %swap3A_176 = vector.load %arg12[%swap3A, %swap3A_175] : memref<128x65xf32, #tpu.memory_space<vmem>>, vector<128x65xf32>
    tpu.vector_store %arg12[%swap3A, %swap3A_175], %add3A_174 {strides = array<i32>} : memref<128x65xf32, #tpu.memory_space<vmem>>, vector<128x65xf32>,
    %eq3A_177 = arith.constant 124 : i32
    %eq3A_178 = arith.cmpi eq, %arg0, %eq3A_177 : i32
    %convert_element_type3A_179 = arith.extui %eq3A_178 : i1 to i32
    %cond3A_180 = arith.constant 0 : i32
    %cond3A_181 = arith.cmpi ne, %convert_element_type3A_179, %cond3A_180 : i32
    scf.if %cond3A_181 {
      %get3A_182 = arith.constant 0 : index
      %get3A_183 = arith.constant 0 : index
      %get3A_184 = vector.load %arg12[%get3A_182, %get3A_183] : memref<128x65xf32, #tpu.memory_space<vmem>>, vector<128x65xf32>
      %slice3A_185 = vector.extract_strided_slice %get3A_184 {offsets = [0, 0], sizes = [128, 64], strides = [1, 1]} : vector<128x65xf32> to vector<128x64xf32>
      %slice3A_186 = vector.extract_strided_slice %get3A_184 {offsets = [0, 64], sizes = [128, 1], strides = [1, 1]} : vector<128x65xf32> to vector<128x1xf32>
      %max3A_187 = arith.constant 1.000000e+00 : f32
      %max3A_188 = vector.broadcast %max3A_187 : f32 to vector<128x1xf32>
      %max3A_189 = arith.maximumf %slice3A_186, %max3A_188 : vector<128x1xf32>
      %div3A = vector.broadcast %max3A_189 : vector<128x1xf32> to vector<128x64xf32>
      %div3A_190 = arith.divf %slice3A_185, %div3A : vector<128x64xf32>
      %get3A_191 = arith.constant 0 : index
      %get3A_192 = arith.constant 0 : index
      %get3A_193 = vector.load %arg6[%get3A_191, %get3A_192] : memref<64x64xf32, #tpu.memory_space<vmem>>, vector<64x64xf32>
      %dot_general3A_194 = arith.constant dense<0.000000e+00> : vector<128x64xf32>
      %dot_general3A_195 = tpu.matmul %div3A_190, %get3A_193, %dot_general3A_194 {dimension_numbers = #tpu.dot_dimension_numbers<[1], [0], [0], [1], [0, 0, 1, 1], [], []>, transpose_lhs_hint = false} : vector<128x64xf32>, vector<64x64xf32>, vector<128x64xf32> -> vector<128x64xf32>
      %get3A_196 = arith.constant 0 : index
      %get3A_197 = arith.constant 0 : index
      %get3A_198 = vector.load %arg7[%get3A_196, %get3A_197] : memref<1x64xf32, #tpu.memory_space<vmem>>, vector<1x64xf32>
      %add3A_199 = vector.broadcast %get3A_198 : vector<1x64xf32> to vector<128x64xf32>
      %add3A_200 = arith.addf %dot_general3A_195, %add3A_199 : vector<128x64xf32>
      %max3A_201 = arith.constant 0.000000e+00 : f32
      %max3A_202 = vector.broadcast %max3A_201 : f32 to vector<128x64xf32>
      %max3A_203 = arith.maximumf %add3A_200, %max3A_202 : vector<128x64xf32>
      %get3A_204 = arith.constant 0 : index
      %get3A_205 = arith.constant 0 : index
      %get3A_206 = vector.load %arg8[%get3A_204, %get3A_205] : memref<64x64xf32, #tpu.memory_space<vmem>>, vector<64x64xf32>
      %dot_general3A_207 = arith.constant dense<0.000000e+00> : vector<128x64xf32>
      %dot_general3A_208 = tpu.matmul %max3A_203, %get3A_206, %dot_general3A_207 {dimension_numbers = #tpu.dot_dimension_numbers<[1], [0], [0], [1], [0, 0, 1, 1], [], []>, transpose_lhs_hint = false} : vector<128x64xf32>, vector<64x64xf32>, vector<128x64xf32> -> vector<128x64xf32>
      %get3A_209 = arith.constant 0 : index
      %get3A_210 = arith.constant 0 : index
      %get3A_211 = vector.load %arg9[%get3A_209, %get3A_210] : memref<1x64xf32, #tpu.memory_space<vmem>>, vector<1x64xf32>
      %add3A_212 = vector.broadcast %get3A_211 : vector<1x64xf32> to vector<128x64xf32>
      %add3A_213 = arith.addf %dot_general3A_208, %add3A_212 : vector<128x64xf32>
      %swap3A_214 = arith.constant 0 : index
      %swap3A_215 = arith.constant 0 : index
      %swap3A_216 = vector.load %arg10[%swap3A_214, %swap3A_215] : memref<128x64xf32, #tpu.memory_space<vmem>>, vector<128x64xf32>
      tpu.vector_store %arg10[%swap3A_214, %swap3A_215], %add3A_213 {strides = array<i32>} : memref<128x64xf32, #tpu.memory_space<vmem>>, vector<128x64xf32>,
    } else {
    }
    return
  }
  func.func @transform_2(%arg0: i32) -> (i32, i32) {
    %c0_i32 = arith.constant 0 : i32
    %c0_i32_0 = arith.constant 0 : i32
    %c0_i32_1 = arith.constant 0 : i32
    return %c0_i32, %c0_i32_0 : i32, i32
  }
  func.func @transform_3(%arg0: i32) -> (i32, i32) {
    %c0_i32 = arith.constant 0 : i32
    %c0_i32_0 = arith.constant 0 : i32
    %c0_i32_1 = arith.constant 0 : i32
    return %c0_i32, %c0_i32_0 : i32, i32
  }
  func.func @transform_4(%arg0: i32) -> (i32, i32) {
    %c0_i32 = arith.constant 0 : i32
    %c0_i32_0 = arith.constant 0 : i32
    %c0_i32_1 = arith.constant 0 : i32
    return %c0_i32, %c0_i32_0 : i32, i32
  }
  func.func @transform_5(%arg0: i32) -> (i32, i32) {
    %c0_i32 = arith.constant 0 : i32
    %c0_i32_0 = arith.constant 0 : i32
    %c0_i32_1 = arith.constant 0 : i32
    return %c0_i32, %c0_i32_0 : i32, i32
  }
  func.func @transform_6(%arg0: i32) -> (i32, i32) {
    %c0_i32 = arith.constant 0 : i32
    %c0_i32_0 = arith.constant 0 : i32
    %c0_i32_1 = arith.constant 0 : i32
    return %c0_i32, %c0_i32_0 : i32, i32
  }
  func.func @transform_7(%arg0: i32) -> (i32, i32) {
    %c0_i32 = arith.constant 0 : i32
    %c0_i32_0 = arith.constant 0 : i32
    %c0_i32_1 = arith.constant 0 : i32
    return %c0_i32, %c0_i32_0 : i32, i32
  }
  func.func @transform_8(%arg0: i32) -> (i32, i32) {
    %c0_i32 = arith.constant 0 : i32
    %c0_i32_0 = arith.constant 0 : i32
    %c0_i32_1 = arith.constant 0 : i32
    return %c0_i32, %c0_i32_0 : i32, i32
  }
  func.func @transform_9(%arg0: i32) -> (i32, i32) {
    %c0_i32 = arith.constant 0 : i32
    %c0_i32_0 = arith.constant 0 : i32
    %c0_i32_1 = arith.constant 0 : i32
    return %c0_i32, %c0_i32_0 : i32, i32
  }
}

</mosaic_0001>

<sc_bundles>
// kernel: sparse-core-data-format-call.cloned.1.call-start
scs
called_computation_lowered:
.L_overlay_start_0:
0x0: {  	s1 =	sld [smem:$0x3FD9]  }
0x1: {  	s2 =	sld [smem:$0x3FFE];
	_ =	sdelay $0x1  }
0x2: {  	s3 =	srdreg.scid  }
0x3: {  	s0 =	sand.u32 $0x1, s3  }
0x4: {  	s17 =	sshll.u32 s0, $0xA;
	s1 =	sadd.s32 s2, s1  }
0x5: {  	s1 =	sadd.s32 s1, s17  }
0x6: {  	[smem:$0x3FBF] =	sst s1  }
0x7: {  	_ = 	snop  }
0x8: {  	(tm) =	ssettm $0x1  }
0x9: {  	s18 =	sld [smem:$0x3FFB];
	_ =	sdelay $0x3  }
0xa: {  	_ =	strace s18  }
0xb: {  	s1 =	sld [smem:$0x3FFC];
	_ =	sdelay $0x3  }
0xc: {  	_ =	strace s1  }
0xd: {  	s1 =	sld [smem:$0x3FFD];
	_ =	sdelay $0x3  }
0xe: {  	_ =	strace s1  }
0xf: {  	_ =	strace $0x8FFFFFFF  }
0x10: {  	s19 =	sld [smem:$0x3FDB];
	_ =	sdelay $0x1  }
0x11: {  	s20 =	simm.s32 $_scs_section_size  }
0x12: {  	s4 =	simm.s32 $_size__tile_overlayer_lowered;
	s5 =	simm.s32 $_tile_overlayer_lowered  }
0x13: {  	s23 =	simm.s32 $0x1BFF;
	s22 =	sshll.u32 s5, $0x1;
	s1 =	sadd.s32 s20, s19  }
0x14: {  	s6 =	simm.s32 $0x0;
	s21 =	sshll.u32 s4, $0x1;
	s4 =	sadd.s32 s22, s1  }
0x15: {  	[timem:s6], [sflag:s23] =	dma.local [hbm:s4], s21  }
0x16: {  	_ =	swait.ge [sflag:s23], s21  }
0x17: {  	s2 =	ssub.s32 $0x0, s21;
	[sflag:s23] =	ssyncset.done $0x0  }
0x18: {  	[sflag:s23] =	ssyncadd.s32 s2;
	_ =	sdelay $0x1  }
0x19: {  	s24 =	simm.s32 $0x1B8B  }
0x1a: {  	_ =	swait.ge [sflag:s24], $0x1  }
0x1b: {  	[sflag:s24] =	ssyncset.done $0x0  }
0x1c: {  	s26 =	simm.s32 $0x1B8E;
	s25 =	sld [smem:$0x3FFE];
	[sflag:s24] =	ssyncadd.s32 $0xFFFFFFFF  }
0x1d: {  	s27 =	simm.s32 $execute0_lowered;
	[smem:$0x3FD2] =	sst s26  }
0x1e: {  	s4 =	sshll.u32 s27, $0x1;
	_ =	strace $0x80000046;
	[dreg:$0x1] =	wrdreg $0xFFFFFFFF  }
0x1f: {  	s28 =	simm.s32 $_size_execute0_lowered;
	s1 =	sadd.s32 s1, s4;
	[dreg:$0x0] =	wrdreg $0x0  }
0x20: {  	s4 =	sshll.u32 s28, $0x1;
	[dreg:$0x2] =	wrdreg s1  }
0x21: {  	[dreg:$0x3] =	wrdreg s4  }
0x22: {  	[dreg:$0x4] =	wrdreg $0xC0  }
0x23: {  	_ =	task [dreg:s6], $0x5FFFF  }
0x24: {  	[dreg:$0x1] =	wrdreg $0xFFFFFFFF  }
0x25: {  	[dreg:$0x0] =	wrdreg $0x60  }
0x26: {  	[dreg:$0x2] =	wrdreg s25  }
0x27: {  	[dreg:$0x3] =	wrdreg $0x9  }
0x28: {  	_ =	task.clear_ibuf [dreg:s6], $0x4FFFF;
	_ =	strace $0x90000046  }
0x29: {  	s29 =	simm.s32 $0x9;
	_ =	strace $0x80000048  }
0x2a: {  	_ =	swait.ge [sflag:s29], $0x1  }
0x2b: {  	[sflag:s29] =	ssyncadd.s32 $0xFFFFFFFF  }
0x2c: {  	_ =	strace $0x90000048  }
0x2d: {  	_ =	sfence  }
0x2e: {  	s30 =	sld [smem:$0x0];
	_ =	sdelay $0x2  }
0x2f: {  	s31 =	sshll.u32 s3, $0xD;
	s3 =	sshrl.u32 s3, $0x2  }
0x30: {  	s2 =	sand.u32 $0x4000, s31;
	s1 =	sadd.s32 s3, s30  }
0x31: {  	s0 =	sor.u32 s2, s0;
	s1 =	sshll.u32 s1, $0x11  }
0x32: {  	s0 =	sor.u32 s1, s0  }
0x33: {  	s0 =	sadd.s32 $0x8F2B, s0  }
0x34: {  	[sflag:s0] =	ssyncadd.remote.s32 $0x1  }
0x35: {  	_ =	sfence.sel $0xFFFF  }
0x36: {  	[dreg:$0x0] =	wrdreg $0xFFFFFFFF;
	(pc) =	sbr.abs _section_cstart, $3  }
0x37: {  	[dreg:$0x1] =	wrdreg $0xFFFFFFFF  }
0x38: {  	_ =	task.clear_ibuf [dreg:s6], $0x2FFFF;
	_ =	strace $0x9FFFFFFF  }
0x39: {  	(tm) =	ssettm $0x7FFFFFFF  }
tec
execute0_lowered:
.L_overlay_start_1:
0x0: {  	(tag) =	ssettag $0x1  }
0x1: {  	s0 =	srdreg.scid  }
0x2: {  	s1 =	sshll.u32 s0, $0x4  }
0x3: {  	s31 =	stileid.u32;
	s3 =	rddreg [dreg:$0x0];
	s1 =	sand.u32 $0x10, s1  }
0x4: {  	_ =	strace $0x80000047;
	s6 =	simm.s32 $0x1;
	s1 =	sor.u32 s31, s1  }
0x5: {  	s7 =	simm.s32 $0x2;
	s13 =	simm.s32 $0x0;
	s2 =	sshll.u32 s1, $0xA  }
0x6: {  	s8 =	simm.s32 $0x80;
	s12 =	simm.s32 $0x0;
	s5 =	ssub.s32 $0x30D400, s2  }
.Ltmp0:
0x7: {  	s10 =	simm.s32 $0x0;
	s4 =	sand.u32 $0x7C00, s5;
	(pc) =	sbr.rel .LBB1_1-.Ltmp0, $4  }
0x8: {  	s11 =	simm.s32 $0x0;
	s9 =	smov.u32 s2;
	p0 =	sne.s32 s4, $0x0  }
0x9: {  	s5 =	sshrl.u32 s5, $0xF;
	s4 =	simm.s32 $0x1;
	s6 =	simm.s32 @!p0 $0x0  }
0xa: {  	[sflag:s4] =	ssyncpa.u1 $0x0;
	p0 =	por $0x0, $0x0;
	s5 =	sadd.s32 s6, s5  }
0xb: {  	s6 =	sadd.s32 $0x30D400, s3;
	[sflag:s7] =	ssyncpa.u1 $0x0;
	s7 =	sadd.s32 $0x1, s5  }
.LBB1_7:
0xc: {  	s0 =	sadd.s32 $0x8000, s9  }
0xd: {  	s12 =	sadd.s32 $0x10, s10;
	s14 =	smov.u32 s10;
	p2 =	sgt.s32 s0, $0x30D3FF  }
0xe: {  	s14 =	smov.u32 @p2 s12  }
0xf: {  	s0 =	smov.u32 @p2 s2;
	p2 =	sgt.s32 s14, $0xF  }
0x10: {  	s14 =	simm.s32 @p2 $0x0;
	p2 =	sne.s32 s11, s7  }
.Ltmp1:
0x11: {  	p1 =	slt.u32 s11, $0x2;
	(pc) =	sbr.rel @!p2 .LBB1_8-.Ltmp1, $4  }
0x12: {  	s1 =	simm.s32 @!p1 $0x2  }
0x13: {  	s13 =	smov.u32 s9;
	p0 =	por !p0, !p0;
	_ =	swait.ge @!p1 [sflag:s1], $0x2000  }
0x14: {  	s12 =	smov.u32 s10;
	[sflag:s1] =	ssyncset.done @!p1 $0x0;
	s9 =	smov.u32 s0  }
0x15: {  	s11 =	sadd.s32 $0x1, s11;
	[sflag:s1] =	ssyncadd.s32 @!p1 $0xFFFFE000;
	s10 =	smov.u32 s14  }
.LBB1_1:
0x16: {  	p1 =	sge.u32 s11, s5  }
0x17: {  	s14 =	sshrl.u32 @!p1 s10, $0x3  }
0x18: {  	s15 =	sshll.u32 @!p1 s9, $0x3;
	s14 =	smul.u32 @!p1 $0x186A000, s14  }
0x19: {  	s15 =	sand.u32 @!p1 $0xFFFFFC00, s15  }
0x1a: {  	s14 =	sadd.s32 @!p1 s14, s15  }
0x1b: {  	s15 =	sshrl.u32 @!p1 s14, $0xA  }
0x1c: {  	s16 =	sshll.u32 @!p1 s10, $0x7;
	s15 =	smulhi.u32 @!p1 $0x53E2D7, s15  }
0x1d: {  	s17 =	sand.u32 @!p1 $0x1, s10;
	s18 =	sshll.u32 @!p1 s9, $0x1;
	s16 =	sand.u32 @!p1 $0x300, s16  }
0x1e: {  	s18 =	sand.u32 @!p1 $0xFE, s18;
	s16 =	sor.u32 @!p1 s17, s16;
	s15 =	sshrl.u32 @!p1 s15, $0x2  }
0x1f: {  	s16 =	sor.u32 @!p1 s18, s16;
	s17 =	smul.u32 @!p1 $0x30D400, s15  }
0x20: {  	s14 =	sor.u32 @!p1 s14, s16  }
0x21: {  	s15 =	sand.u32 @!p1 $0xF, s15;
	s14 =	ssub.s32 @!p1 s14, s17  }
0x22: {  	s31 =	sadd.s32 $0xFFFFFFFF, s11;
	s15 =	smul.u32 @!p1 $0x30D40, s15;
	s16 =	sshrl.u32 @!p1 s14, $0x4  }
0x23: {  	s17 =	sxor.u32 @!p1 $0xFFFFFFFF, s11;
	s14 =	sshll.u32 @!p1 s14, $0x11;
	s16 =	sadd.s32 @!p1 s3, s16  }
0x24: {  	s14 =	sand.u32 @!p1 $0x1C0000, s14;
	s15 =	sadd.s32 @!p1 s15, s16;
	s16 =	sshll.u32 @!p1 s17, $0xD  }
0x25: {  	s14 =	sor.u32 @!p1 $0x1000, s14;
	s17 =	simm.s32 @!p1 $0xC35000;
	s16 =	sand.u32 @!p1 $0x2000, s16  }
0x26: {  	[tilespmem:s16], [sflag:$0x1] =	stream.strided.gather @!p1 [hbm4b:s15+s14], $0x2000, s17, s14, $0x38;
	[tilespmem:$0x8400] =	vst v63  }
0x27: {  	p1 =	sge.u32 s31, s5  }
.Ltmp2:
0x28: {  	_ = 	snop;
	(pc) =	sbr.rel @p1 .LBB1_7-.Ltmp2, $1  }
0x29: {  	_ =	sdelay $0x3  }
0x2a: {  	s14 =	simm.s32 $0x1;
	s16 =	sand.u32 $0x1, s11  }
0x2b: {  	_ =	swait.ge [sflag:s4], $0x2000;
	s19 =	simm.s32 $0x0;
	s20 =	simm.s32 $0x0  }
0x2c: {  	s14 =	simm.s32 @!p0 $0x0;
	[sflag:s4] =	ssyncset.done $0x0;
	s17 =	smul.u32 $0x8800, s16  }
0x2d: {  	s18 =	sshll.u32 s16, $0xD;
	s15 =	smul.u32 $0x8800, s14;
	s14 =	sshll.u32 s14, $0xF  }
0x2e: {  	[sflag:s4] =	ssyncadd.s32 $0xFFFFE000;
	v0 =	vmov s18;
	s18 =	simm.s32 $0x0;
	s30 =	sshrl.u32 s17, $0x2  }
0x2f: {  	s31 =	sshrl.u32 s14, $0x2;
	s17 =	simm.s32 $0x0;
	s15 =	sshrl.u32 s15, $0x2  }
0x30: {  	s14 =	sor.u32 $0x4000, s30;
	s16 =	sadd.s32 $0x210, s31;
	s15 =	sadd.s32 $0x4771, s15  }
.LBB1_3:
0x31: {  	s21 =	sshll.u32 s19, $0x1;
	s22 =	sand.u32 $0x3, s18  }
0x32: {  	s21 =	sand.u32 $0xFFFFC000, s21;
	s22 =	sshll.u32 s22, $0x9  }
0x33: {  	s21 =	sor.u32 s22, s21  }
0x34: {  	s21 =	sshrl.u32 s21, $0x2  }
0x35: {  	s23 =	sadd.s32 s21, s16  }
0x36: {  	v1 =	vld [tilespmem:s23+$0xFFFFFE40]  }
0x37: {  	v2 =	vld [tilespmem:s23+$0xFFFFFE00]  }
0x38: {  	v3 =	vld [tilespmem:s23+$0xFFFFFE50]  }
0x39: {  	v4 =	vld [tilespmem:s23+$0xFFFFFE10]  }
0x3a: {  	v5 =	vld [tilespmem:s23+$0x40]  }
0x3b: {  	v6 =	vld [tilespmem:s23+$0xFFFFFDF0]  }
0x3c: {  	v7 =	vld [tilespmem:s23+$0x20]  }
0x3d: {  	s24 =	sand.u32 $0xFFFFE000, s19;
	v8 =	vld [tilespmem:s23+$0xFFFFFE60]  }
0x3e: {  	s24 =	sor.u32 $0x400, s24;
	s21 =	sshll.u32 s20, $0x7;
	v12 =	vld [tilespmem:s23+$0x60]  }
0x3f: {  	s25 =	sor.u32 s21, s24;
	v13 =	vld [tilespmem:s23+$0xFFFFFE30];
	v1 =	vperm.xlane.i2c.b16 v1  }
0x40: {  	v10 =	vld [tilespmem:s23+$0x10];
	s22 =	sshrl.u32 s25, $0x1;
	v11 =	vperm.xlane.i2c.b16 v5;
	v4 =	vperm.xlane.i2c.b16 v4  }
0x41: {  	v9 =	vld.idx.msk [tilespmem:v0+s22+$0x0 ss:$0x1], $0xffff;
	v2 =	vperm.xlane.i2c.b16 v2;
	v6 =	vperm.xlane.i2c.b16 v6  }
0x42: {  	v15 =	vld [tilespmem:s23+$0xFFFFFE20];
	v8 =	vperm.xlane.i2c.b16 v8;
	v14 =	vperm.xlane.i2c.b16 v3  }
0x43: {  	v5 =	vld [tilespmem:s23+$0x0];
	v7 =	vperm.xlane.i2c.b16 v7;
	v12 =	vperm.xlane.i2c.b16 v12  }
0x44: {  	s26 =	sshrl.u32 s20, $0x3;
	v17 =	vld [tilespmem:s23+$0x30];
	v13 =	vperm.xlane.i2c.b16 v13;
	v3 =	vcombine.low v6, v2  }
0x45: {  	s27 =	sadd.s32 $0x400, s23;
	s22 =	sxor.u32 $0xFFFFFFFF, s26;
	v2 =	vcombine.high v6, v2;
	v6 =	vperm.xlane.i2c.b16 v10;
	v10 =	vld [tilespmem:s23+$0x50]  }
0x46: {  	s28 =	sadd.s32 $0x800, s24;
	v18 =	vld [tilespmem:s27+$0xFFFFFE40];
	s30 =	sand.u32 s22, s17;
	v16 =	vcombine.high v14, v8;
	v9 =	vperm.xlane.i2c.b16 v9  }
0x47: {  	s24 =	sor.u32 s21, s28;
	s25 =	sand.u32 $0x6, s20;
	v19 =	vld [tilespmem:s27+$0xFFFFFE00];
	s26 =	smul.u32 $0x22, s30;
	[tilespmem:s15+$0xFFFFF88F ss:$0x11] =	vst.msk $0xffff, v3;
	v20 =	vcombine.low v6, v7;
	v6 =	vcombine.high v6, v7  }
0x48: {  	s1 =	sand.u32 $0x3FFFFFF8, s20;
	v21 =	vld [tilespmem:s27+$0xFFFFFE50];
	s24 =	sshrl.u32 s24, $0x1;
	s0 =	sadd.s32 s25, s14;
	v5 =	vperm.xlane.i2c.b16 v5;
	[tilespmem:s15+$0xFFFFF890 ss:$0x11] =	vst.msk $0xffff, v2;
	v2 =	vperm.xlane.i2c.b16 v15  }
0x49: {  	v23 =	vld.idx.msk [tilespmem:v0+s24+$0x0 ss:$0x1], $0xffff;
	s30 =	sshra.s32 s26, $0x2;
	s23 =	sadd.s32 s1, s0;
	v15 =	vcombine.low v13, v1;
	v1 =	vcombine.high v13, v1;
	[tilespmem:s15+$0xFFFFFDDF ss:$0x11] =	vst.msk $0xffff, v20  }
0x4a: {  	s25 =	sadd.s32 s30, s23;
	v20 =	vld [tilespmem:s27+$0x40];
	v3 =	vcombine.high v9, v5;
	[tilespmem:s15+$0xFFFFFDE0 ss:$0x11] =	vst.msk $0xffff, v6;
	v6 =	vperm.xlane.i2c.b16 v10  }
0x4b: {  	v7 =	vld [tilespmem:s27+$0xFFFFFE10];
	v13 =	vcombine.low v4, v2;
	v4 =	vcombine.high v4, v2;
	[tilespmem:s25+$0x220 ss:$0x11] =	vst.msk $0xffff, v15  }
0x4c: {  	v10 =	vld [tilespmem:s27+$0xFFFFFDF0];
	v22 =	vcombine.low v9, v5;
	v2 =	vperm.xlane.i2c.b16 v18;
	[tilespmem:s25+$0x221 ss:$0x11] =	vst.msk $0xffff, v1  }
0x4d: {  	v9 =	vld [tilespmem:s27+$0xFFFFFE60];
	v5 =	vcombine.low v6, v12;
	[tilespmem:s25+$0x110 ss:$0x11] =	vst.msk $0xffff, v13;
	v13 =	vperm.xlane.i2c.b16 v17  }
0x4e: {  	v15 =	vld [tilespmem:s27+$0x20];
	v6 =	vcombine.high v6, v12;
	[tilespmem:s25+$0x111 ss:$0x11] =	vst.msk $0xffff, v4;
	v4 =	vcombine.low v14, v8  }
0x4f: {  	v17 =	vld [tilespmem:s27+$0x10];
	[tilespmem:s15+$0xFFFFFCCF ss:$0x11] =	vst.msk $0xffff, v22;
	v1 =	vperm.xlane.i2c.b16 v20;
	v18 =	vcombine.low v13, v11  }
0x50: {  	v12 =	vld [tilespmem:s27+$0x60];
	[tilespmem:s15+$0xFFFFFFFF ss:$0x11] =	vst.msk $0xffff, v5;
	v5 =	vperm.xlane.i2c.b16 v7;
	v7 =	vperm.xlane.i2c.b16 v21  }
0x51: {  	v8 =	vld [tilespmem:s27+$0x0];
	[tilespmem:s25+$0x330 ss:$0x11] =	vst.msk $0xffff, v4;
	v4 =	vcombine.high v13, v11;
	v11 =	vperm.xlane.i2c.b16 v19  }
0x52: {  	v14 =	vld [tilespmem:s27+$0xFFFFFE20];
	v10 =	vperm.xlane.i2c.b16 v10;
	[tilespmem:s15+$0x0 ss:$0x11] =	vst.msk $0xffff, v6;
	v6 =	vperm.xlane.i2c.b16 v9  }
0x53: {  	s31 =	simm.s32 $0x200;
	v13 =	vld [tilespmem:s27+$0xFFFFFE30];
	v15 =	vperm.xlane.i2c.b16 v15;
	v9 =	vperm.xlane.i2c.b16 v23;
	[tilespmem:s25+$0x331 ss:$0x11] =	vst.msk $0xffff, v16  }
0x54: {  	s29 =	smov.u32 s15;
	s28 =	sadd.s32 $0x800, s28;
	s24 =	sadd.s32 $0x880, s15;
	[tilespmem:s15+$0xFFFFFEEF ss:$0x11] =	vst.msk $0xffff, v18;
	v16 =	vcombine.low v10, v11;
	v18 =	vcombine.high v10, v11;
	v11 =	vld [tilespmem:s27+$0x50]  }
0x55: {  	s26 =	sadd.s32 $0x880, s24;
	s25 =	simm.s32 $0x100;
	v17 =	vperm.xlane.i2c.b16 v17;
	[tilespmem:s15+$0xFFFFFEF0 ss:$0x11] =	vst.msk $0xffff, v4;
	v4 =	vcombine.high v7, v6;
	v10 =	vld [tilespmem:s27+$0x30];
	s27 =	sadd.s32 $0x400, s27  }
.LBB1_4:
0x56: {  	s1 =	sor.u32 s21, s28;
	s0 =	sand.u32 s22, s25;
	s25 =	smov.u32 s31  }
0x57: {  	v19 =	vld [tilespmem:s27+$0xFFFFFE40];
	v8 =	vperm.xlane.i2c.b16 v8;
	v12 =	vperm.xlane.i2c.b16 v12;
	[tilespmem:s29+$0xFFFFFCD0 ss:$0x11] =	vst.msk $0xffff, v3;
	s30 =	sadd.s32 $0x100, s31;
	s29 =	smov.u32 s24;
	s24 =	smov.u32 s26  }
0x58: {  	p1 =	slt.u32 s31, $0x300;
	v20 =	vld [tilespmem:s27+$0xFFFFFE00];
	s1 =	sshrl.u32 s1, $0x1;
	[tilespmem:s29+$0xFFFFF88F ss:$0x11] =	vst.msk $0xffff, v16;
	s0 =	smul.u32 $0x22, s0;
	v13 =	vperm.xlane.i2c.b16 v13;
	v16 =	vcombine.low v17, v15  }
0x59: {  	v15 =	vcombine.high v17, v15;
	v21 =	vld [tilespmem:s27+$0xFFFFFE50];
	[tilespmem:s29+$0xFFFFF890 ss:$0x11] =	vst.msk $0xffff, v18;
	v14 =	vperm.xlane.i2c.b16 v14  }
0x5a: {  	v3 =	vcombine.high v9, v8;
	v17 =	vld [tilespmem:s27+$0xFFFFFE10];
	s0 =	sshra.s32 s0, $0x2;
	v18 =	vcombine.low v13, v2;
	[tilespmem:s29+$0xFFFFFDDF ss:$0x11] =	vst.msk $0xffff, v16  }
0x5b: {  	v2 =	vcombine.high v13, v2;
	v11 =	vperm.xlane.i2c.b16 v11;
	v16 =	vld [tilespmem:s27+$0x40];
	s0 =	sadd.s32 s0, s23;
	[tilespmem:s29+$0xFFFFFDE0 ss:$0x11] =	vst.msk $0xffff, v15  }
0x5c: {  	v15 =	vcombine.low v5, v14;
	v5 =	vcombine.high v5, v14;
	v13 =	vld [tilespmem:s27+$0xFFFFFDF0];
	[tilespmem:s0+$0x220 ss:$0x11] =	vst.msk $0xffff, v18  }
0x5d: {  	v22 =	vcombine.low v9, v8;
	v8 =	vcombine.low v11, v12;
	v18 =	vld [tilespmem:s27+$0x20];
	[tilespmem:s0+$0x221 ss:$0x11] =	vst.msk $0xffff, v2  }
0x5e: {  	v10 =	vperm.xlane.i2c.b16 v10;
	v2 =	vperm.xlane.i2c.b16 v19;
	v9 =	vld [tilespmem:s27+$0xFFFFFE60];
	[tilespmem:s0+$0x110 ss:$0x11] =	vst.msk $0xffff, v15  }
0x5f: {  	v6 =	vcombine.low v7, v6;
	v7 =	vcombine.high v11, v12;
	v19 =	vld.idx.msk [tilespmem:v0+s1+$0x0 ss:$0x1], $0xffff;
	[tilespmem:s0+$0x111 ss:$0x11] =	vst.msk $0xffff, v5  }
0x60: {  	v23 =	vcombine.low v10, v1;
	v11 =	vld [tilespmem:s27+$0x10];
	v14 =	vperm.xlane.i2c.b16 v16;
	[tilespmem:s29+$0xFFFFFFFF ss:$0x11] =	vst.msk $0xffff, v8  }
0x61: {  	v10 =	vcombine.high v10, v1;
	v5 =	vperm.xlane.i2c.b16 v17;
	v8 =	vld [tilespmem:s27+$0x0];
	[tilespmem:s0+$0x330 ss:$0x11] =	vst.msk $0xffff, v6  }
.Ltmp3:
0x62: {  	v17 =	vperm.xlane.i2c.b16 v20;
	v20 =	vperm.xlane.i2c.b16 v13;
	v12 =	vld [tilespmem:s27+$0x60];
	[tilespmem:s29+$0x0 ss:$0x11] =	vst.msk $0xffff, v7;
	v1 =	vmov v14;
	(pc) =	sbr.rel @p1 .LBB1_4-.Ltmp3, $4  }
0x63: {  	v7 =	vperm.xlane.i2c.b16 v21;
	v13 =	vld [tilespmem:s27+$0xFFFFFE30];
	v6 =	vperm.xlane.i2c.b16 v9;
	[tilespmem:s0+$0x331 ss:$0x11] =	vst.msk $0xffff, v4  }
0x64: {  	v15 =	vperm.xlane.i2c.b16 v18;
	v16 =	vcombine.low v20, v17;
	v14 =	vld [tilespmem:s27+$0xFFFFFE20];
	[tilespmem:s29+$0xFFFFFEEF ss:$0x11] =	vst.msk $0xffff, v23  }
0x65: {  	s26 =	sadd.s32 $0x880, s26;
	v18 =	vcombine.high v20, v17;
	v17 =	vperm.xlane.i2c.b16 v11;
	v11 =	vld [tilespmem:s27+$0x50];
	[tilespmem:s29+$0xFFFFFEF0 ss:$0x11] =	vst.msk $0xffff, v10  }
0x66: {  	s28 =	sadd.s32 $0x800, s28;
	s31 =	smov.u32 s30;
	v9 =	vperm.xlane.i2c.b16 v19;
	v4 =	vcombine.high v7, v6;
	v10 =	vld [tilespmem:s27+$0x30];
	s27 =	sadd.s32 $0x400, s27;
	[tilespmem:s29+$0xFFFFFCCF ss:$0x11] =	vst.msk $0xffff, v22  }
0x67: {  	s0 =	sand.u32 s22, s25;
	[tilespmem:s29+$0xFFFFFCD0 ss:$0x11] =	vst.msk $0xffff, v3  }
0x68: {  	[tilespmem:s24+$0xFFFFF88F ss:$0x11] =	vst.msk $0xffff, v16;
	v56 =	vcombine.low v17, v15;
	s0 =	smul.u32 $0x22, s0;
	v3 =	vperm.xlane.i2c.b16 v13  }
0x69: {  	v57 =	vcombine.high v17, v15;
	[tilespmem:s24+$0xFFFFF890 ss:$0x11] =	vst.msk $0xffff, v18  }
0x6a: {  	[tilespmem:s24+$0xFFFFFDDF ss:$0x11] =	vst.msk $0xffff, v56;
	s0 =	sshra.s32 s0, $0x2;
	v58 =	vcombine.low v3, v2  }
0x6b: {  	v61 =	vcombine.low v7, v6;
	v14 =	vperm.xlane.i2c.b16 v14;
	[tilespmem:s24+$0xFFFFFDE0 ss:$0x11] =	vst.msk $0xffff, v57;
	s0 =	sadd.s32 s0, s23  }
0x6c: {  	v2 =	vcombine.high v3, v2;
	[tilespmem:s0+$0x220 ss:$0x11] =	vst.msk $0xffff, v58  }
0x6d: {  	v59 =	vcombine.low v5, v14;
	[tilespmem:s0+$0x330 ss:$0x11] =	vst.msk $0xffff, v61  }
0x6e: {  	v12 =	vperm.xlane.i2c.b16 v12;
	v3 =	vperm.xlane.i2c.b16 v11;
	[tilespmem:s0+$0x221 ss:$0x11] =	vst.msk $0xffff, v2  }
0x6f: {  	v60 =	vcombine.high v5, v14;
	v62 =	vperm.xlane.i2c.b16 v10;
	[tilespmem:s0+$0x110 ss:$0x11] =	vst.msk $0xffff, v59  }
0x70: {  	v2 =	vcombine.low v3, v12;
	[tilespmem:s0+$0x331 ss:$0x11] =	vst.msk $0xffff, v4  }
0x71: {  	v63 =	vcombine.low v62, v1;
	[tilespmem:s0+$0x111 ss:$0x11] =	vst.msk $0xffff, v60  }
0x72: {  	p1 =	slt.u32 s20, $0xE;
	v3 =	vcombine.high v3, v12;
	[tilespmem:s24+$0xFFFFFFFF ss:$0x11] =	vst.msk $0xffff, v2;
	v2 =	vperm.xlane.i2c.b16 v8  }
.Ltmp4:
0x73: {  	v1 =	vcombine.high v62, v1;
	[tilespmem:s24+$0xFFFFFEEF ss:$0x11] =	vst.msk $0xffff, v63;
	(pc) =	sbr.rel @p1 .LBB1_3-.Ltmp4, $4  }
0x74: {  	[tilespmem:s24+$0x0 ss:$0x11] =	vst.msk $0xffff, v3;
	v3 =	vcombine.low v9, v2  }
0x75: {  	[tilespmem:s24+$0xFFFFFEF0 ss:$0x11] =	vst.msk $0xffff, v1;
	v2 =	vcombine.high v9, v2  }
0x76: {  	s31 =	sadd.s32 $0x2, s20;
	s15 =	sadd.s32 $0x2, s15;
	[tilespmem:s24+$0xFFFFFCCF ss:$0x11] =	vst.msk $0xffff, v3  }
0x77: {  	s19 =	sadd.s32 $0x800, s19;
	s18 =	sadd.s32 $0x1, s18;
	s20 =	smov.u32 s31;
	[tilespmem:s24+$0xFFFFFCD0 ss:$0x11] =	vst.msk $0xffff, v2  }
0x78: {  	s0 =	sshll.u32 s13, $0x7;
	s1 =	sshll.u32 s12, $0x3  }
0x79: {  	s13 =	sand.u32 $0xFFFFFC00, s0;
	s1 =	sand.u32 $0xFFFFFC00, s1  }
0x7a: {  	s25 =	sshll.u32 s12, $0x1;
	s0 =	sand.u32 $0x300, s0;
	s1 =	sadd.s32 s1, s13  }
0x7b: {  	s26 =	sand.u32 $0x80, s25;
	s0 =	sor.u32 s0, s1  }
0x7c: {  	s0 =	sor.u32 s26, s0  }
0x7d: {  	s0 =	sshrl.u32 s0, $0x7  }
0x7e: {  	s27 =	smulhi.u32 $0x14F8B59, s0;
	_ =	sdelay $0x1  }
0x7f: {  	s1 =	sshrl.u32 s27, $0xE  }
0x80: {  	s1 =	smul.u32 $0x30D400, s1  }
.Ltmp5:
0x81: {  	s28 =	sshrl.u32 s12, $0x3;
	(pc) =	sbr.rel .LBB1_7-.Ltmp5, $4  }
0x82: {  	s30 =	sand.u32 $0x7, s12;
	s29 =	sand.u32 $0x7, s28;
	s0 =	ssub.s32 s0, s1  }
0x83: {  	s12 =	sshll.u32 s30, $0x12;
	s1 =	sadd.s32 s6, s29;
	s0 =	sshll.u32 s0, $0x3  }
0x84: {  	s31 =	sor.u32 $0x10, s12;
	s0 =	sadd.s32 s0, s1  }
0x85: {  	[hbm4b:s0+s31] =	stream.strided.scatter [tilespmem:s14], [sflag:$0x2], $0x2000, s8, s31, $0x8;
	[tilespmem:$0x8400] =	vst v63  }
.LBB1_8:
0x86: {  	_ =	sfence.sel $0x180000  }
0x87: {  	s0 =	simm.s32 $0x1;
	[bflag:$0x0] =	sbarrier.arrive $0xFFFF  }
0x88: {  	s30 =	simm.s32 $0x2;
	[sflag:s0] =	ssyncpa.u1 $0x1  }
0x89: {  	[sflag:s30] =	ssyncpa.u1 $0x1  }
0x8a: {  	_ =	strace $0x90000047  }
0x8b: {  	s31 =	stileid.u32;
	[bflag:$0x2] =	sbarrier.arrive $0xFFFF  }
0x8c: {  	p0 =	sne.s32 s31, $0x0;
	s0 =	rddreg [dreg:$0x1]  }
0x8d: {  	s0 =	sadd.s32 @!p0 $0x100000, s0  }
0x8e: {  	[sflag:s0] =	ssyncadd.tile.s32 @!p0 $0x1;
	_ =	shalt  }
.Lfunc_end1:
_tile_overlayer_lowered:
.L_overlay_start_2:
0x8f: {  	(tag) =	ssettag $0x2  }
0x90: {  	s0 =	rddreg [dreg:$0x0];
	s2 =	stileid.u32  }
0x91: {  	s1 =	rddreg [dreg:$0x1];
	p0 =	sne.s32 s2, $0x0  }
0x92: {  	s3 =	rddreg [dreg:$0x2];
	[bflag:$0x3] =	sbarrier.arrive $0xFFFF;
	s2 =	simm.s32 @!p0 $0x1C01  }
0x93: {  	[timem:s3], [sflag:s2] =	dma.local @!p0 [hbm:s0], s1  }
0x94: {  	s0 =	simm.s32 @!p0 $0x1  }
0x95: {  	_ =	swait.ge @!p0 [sflag:s0], s1  }
0x96: {  	s1 =	ssub.s32 @!p0 $0x0, s1;
	[sflag:s0] =	ssyncset.done @!p0 $0x0  }
0x97: {  	[sflag:s0] =	ssyncadd.s32 @!p0 s1  }
0x98: {  	[bflag:$0x3] =	sbarrier.arrive $0xFFFF  }
0x99: {  	_ =	shalt  }

</sc_bundles>
